<compile_context>
chip_gen: v7x
topology: tpu7x:2x2x1
jax: 0.10.2.dev20260603
libtpu: 0.0.44.dev20260713+nightly
codegen_flags: <defaults>
</compile_context>

<pallas_src>
import jax
import jax.numpy as jnp
from jax import lax
from jax.experimental import pallas as pl
from jax.experimental.pallas import tpu as pltpu
from jax.experimental.pallas import tpu_sc as plsc

_LANES = 16


def kernel(word_embeddings, pos_table):
    B, S, D = word_embeddings.shape
    R = 16
    we2 = word_embeddings.reshape(B * S, D)
    mesh = plsc.VectorSubcoreMesh(core_axis_name="c", subcore_axis_name="s")

    @pl.kernel(
        out_type=jax.ShapeDtypeStruct((B * S, D), word_embeddings.dtype),
        mesh=mesh,
    )
    def sc_kernel(we_hbm, pos_hbm, o_hbm):
        def body(we_vmem, pos_vmem, o_vmem):
            @pl.loop(0, R)
            def _(r):
                @pl.loop(0, D, step=_LANES)
                def _(c):
                    slc = (pl.ds(r, 1), pl.ds(c, _LANES))
                    o_vmem.at[*slc][...] = (
                        we_vmem.at[*slc][...] + pos_vmem.at[*slc][...]
                    )

        pltpu.emit_pipeline(
            body,
            grid=((B * S) // R,),
            in_specs=[
                pl.BlockSpec((R, D), index_map=lambda i: (i, 0)),
                pl.BlockSpec((R, D), index_map=lambda i: (lax.rem(i, S // R), 0)),
            ],
            out_specs=[pl.BlockSpec((R, D), index_map=lambda i: (i, 0))],
            core_axis_name=("c", "s"),
            dimension_semantics=(pltpu.PARALLEL,),
        )(we_hbm, pos_hbm, o_hbm)

    return sc_kernel(we2, pos_table).reshape(B, S, D)

# --- scband reference (transcript-rebuilt; emitter-appended) ---
"""Pipeline reference for scband-position-encoder-21620865368241 (READ-ONLY COPY).

The authoritative reference and input builder live on the scoring server;
editing this copy changes nothing except your own understanding.
"""

import jax, jax.numpy as jnp
import numpy as np

SEQ_LEN = 8192
EMB_DIM = 1024
BATCH = 4

def setup_inputs(seed: int = 0) -> dict:
    key = jax.random.key(seed)
    k1, k2 = jax.random.split(key)
    word_embeddings = jax.random.normal(k1, (BATCH, SEQ_LEN, EMB_DIM), dtype=jnp.float32)
    # learned position embedding table, like nn.Embedding(seq_len, embedding_dim)
    pos_table = jax.random.normal(k2, (SEQ_LEN, EMB_DIM), dtype=jnp.float32)
    return {"word_embeddings": word_embeddings, "pos_table": pos_table}

def reference(word_embeddings, pos_table):
    batch_size, seq_len, embedding_dim = word_embeddings.shape
    positions = jnp.arange(seq_len, dtype=jnp.int32)  # (S,)
    positions = jnp.broadcast_to(positions[None, :], (batch_size, seq_len))  # (B, S)
    pos_enc = jnp.take(pos_table, positions, axis=0)  # (B, S, D) gather
    return word_embeddings + pos_enc

if __name__ == "__main__":
    import jax
    _d = setup_inputs()
    print(jax.jit(kernel)(*tuple(_d.values())))

</pallas_src>

<mosaic_0001>
#map = affine_map<(d0, d1) -> (0, 0)>
module attributes {stable_mosaic.version = 14 : i64} {
  func.func @sc_kernel(%arg0: i32, %arg1: i32, %arg2: memref<32768x1024xf32, #tpu.memory_space<hbm>>, %arg3: memref<8192x1024xf32, #tpu.memory_space<hbm>>, %arg4: memref<32768x1024xf32, #tpu.memory_space<hbm>>) attributes {dimension_semantics = [#tpu.dimension_semantics<core_parallel>, #tpu.dimension_semantics<subcore_parallel>], iteration_bounds = array<i64: 2, 16>, scalar_prefetch = 0 : i64, scratch_operands = 0 : i64, tpu.core_type = #tpu.core_type<sc_vector_subcore>, window_params = [{transform_indices = #map}, {transform_indices = #map}, {transform_indices = #map}]} {
    %mul3A = arith.constant 1 : i32
    %mul3A_0 = arith.muli %arg1, %mul3A : i32
    %add3A = arith.constant 0 : i32
    %add3A_1 = arith.addi %add3A, %mul3A_0 : i32
    %mul3A_2 = arith.constant 16 : i32
    %mul3A_3 = arith.muli %arg0, %mul3A_2 : i32
    %add3A_4 = arith.addi %add3A_1, %mul3A_3 : i32
    %mul3A_5 = arith.constant 64 : i32
    %mul3A_6 = arith.muli %add3A_4, %mul3A_5 : i32
    "tpu.region"() ({
      %run_scoped3A = memref.alloca() : memref<2x16x1024xf32, #tpu.memory_space<vmem>>
      %run_scoped3A_7 = tpu.sem_alloc : memref<2x!tpu.dma_semaphore, #tpu.memory_space<semaphore_mem>>
      %run_scoped3A_8 = memref.alloca() : memref<2x16x1024xf32, #tpu.memory_space<vmem>>
      %run_scoped3A_9 = tpu.sem_alloc : memref<2x!tpu.dma_semaphore, #tpu.memory_space<semaphore_mem>>
      %run_scoped3A_10 = memref.alloca() : memref<2x16x1024xf32, #tpu.memory_space<vmem>>
      %run_scoped3A_11 = tpu.sem_alloc : memref<2x!tpu.dma_semaphore, #tpu.memory_space<semaphore_mem>>
      %add3A_12 = arith.constant 0 : i32
      %add3A_13 = arith.addi %add3A_12, %mul3A_6 : i32
      %select_n3A = arith.constant true
      %select_n3A_14 = arith.constant 0 : i32
      %select_n3A_15 = arith.constant -1 : i32
      %select_n3A_16 = arith.select %select_n3A, %select_n3A_15, %select_n3A_14 : i32
      %eq3A = arith.constant -1 : i32
      %eq3A_17 = arith.cmpi eq, %select_n3A_16, %eq3A : i32
      %select_n3A_18 = arith.constant 63 : i32
      %select_n3A_19 = arith.select %eq3A_17, %select_n3A_18, %select_n3A_16 : i32
      %add3A_20 = arith.addi %select_n3A_19, %mul3A_6 : i32
      %select_n3A_21 = arith.constant true
      %select_n3A_22 = arith.constant 0 : i32
      %select_n3A_23 = arith.constant 1 : i32
      %select_n3A_24 = arith.select %select_n3A_21, %select_n3A_23, %select_n3A_22 : i32
      %eq3A_25 = arith.constant 64 : i32
      %eq3A_26 = arith.cmpi eq, %select_n3A_24, %eq3A_25 : i32
      %select_n3A_27 = arith.constant 0 : i32
      %select_n3A_28 = arith.select %eq3A_26, %select_n3A_27, %select_n3A_24 : i32
      %add3A_29 = arith.addi %select_n3A_28, %mul3A_6 : i32
      %add3A_30 = arith.constant 1 : i32
      %add3A_31 = arith.addi %select_n3A_28, %add3A_30 : i32
      %select_n3A_32 = arith.constant true
      %select_n3A_33 = arith.select %select_n3A_32, %add3A_31, %select_n3A_28 : i32
      %eq3A_34 = arith.constant 64 : i32
      %eq3A_35 = arith.cmpi eq, %select_n3A_33, %eq3A_34 : i32
      %select_n3A_36 = arith.constant 0 : i32
      %select_n3A_37 = arith.select %eq3A_35, %select_n3A_36, %select_n3A_33 : i32
      %add3A_38 = arith.addi %select_n3A_37, %mul3A_6 : i32
      "tpu.trace_start"() <{level = 10 : i32, message = "ep_initialize_0"}> : () -> ()
      %rem3A = arith.constant 0 : i32
      %rem3A_39 = arith.constant 2 : i32
      %rem3A_40 = arith.remui %rem3A, %rem3A_39 : i32
      %mul3A_41 = arith.constant 16 : i32
      %mul3A_42 = arith.muli %mul3A_41, %add3A_13 : i32
      %dma_start3A = arith.constant 0 : i32
      %dma_start3A_43 = arith.constant 0 : i32
      %dma_start3A_44 = tpu.memref_slice %run_scoped3A[%rem3A_40, %dma_start3A, %dma_start3A_43] : memref<2x16x1024xf32, #tpu.memory_space<vmem>> -> memref<1x16x1024xf32, #tpu.memory_space<vmem>>
      %dma_start3A_45 = tpu.memref_squeeze %dma_start3A_44 : memref<1x16x1024xf32, #tpu.memory_space<vmem>> -> memref<16x1024xf32, #tpu.memory_space<vmem>>
      %dma_start3A_46 = arith.constant 0 : i32
      %dma_start3A_47 = tpu.memref_slice %arg2[%mul3A_42, %dma_start3A_46] : memref<32768x1024xf32, #tpu.memory_space<hbm>> -> memref<16x1024xf32, #tpu.memory_space<hbm>>
      %dma_start3A_48 = tpu.memref_slice %run_scoped3A_7[%rem3A_40] : memref<2x!tpu.dma_semaphore, #tpu.memory_space<semaphore_mem>> -> memref<1x!tpu.dma_semaphore, #tpu.memory_space<semaphore_mem>>
      %dma_start3A_49 = tpu.memref_squeeze %dma_start3A_48 : memref<1x!tpu.dma_semaphore, #tpu.memory_space<semaphore_mem>> -> memref<!tpu.dma_semaphore, #tpu.memory_space<semaphore_mem>>
      %dma_start3A_50 = arith.constant 0 : i32
      %dma_start3A_51 = arith.constant 0 : i32
      %dma_start3A_52 = tpu.memref_slice %run_scoped3A[%rem3A_40, %dma_start3A_50, %dma_start3A_51] : memref<2x16x1024xf32, #tpu.memory_space<vmem>> -> memref<1x16x1024xf32, #tpu.memory_space<vmem>>
      %dma_start3A_53 = tpu.memref_squeeze %dma_start3A_52 : memref<1x16x1024xf32, #tpu.memory_space<vmem>> -> memref<16x1024xf32, #tpu.memory_space<vmem>>
      %dma_start3A_54 = arith.constant 0 : i32
      %dma_start3A_55 = tpu.memref_slice %arg2[%mul3A_42, %dma_start3A_54] : memref<32768x1024xf32, #tpu.memory_space<hbm>> -> memref<16x1024xf32, #tpu.memory_space<hbm>>
      tpu.enqueue_dma source(%dma_start3A_55 : memref<16x1024xf32, #tpu.memory_space<hbm>>) target(%dma_start3A_53 : memref<16x1024xf32, #tpu.memory_space<vmem>>) target_semaphore(%dma_start3A_49 : memref<!tpu.dma_semaphore, #tpu.memory_space<semaphore_mem>>)
      %add3A_56 = arith.constant 0 : i32
      %add3A_57 = arith.constant 1 : i32
      %add3A_58 = arith.addi %add3A_56, %add3A_57 : i32
      %select_n3A_59 = arith.constant true
      %select_n3A_60 = arith.constant 0 : i32
      %select_n3A_61 = arith.select %select_n3A_59, %add3A_58, %select_n3A_60 : i32
      %rem3A_62 = arith.constant 0 : i32
      %rem3A_63 = arith.constant 2 : i32
      %rem3A_64 = arith.remui %rem3A_62, %rem3A_63 : i32
      %rem3A_65 = arith.constant 512 : i32
      %rem3A_66 = arith.remsi %add3A_13, %rem3A_65 : i32
      %mul3A_67 = arith.constant 16 : i32
      %mul3A_68 = arith.muli %mul3A_67, %rem3A_66 : i32
      %dma_start3A_69 = arith.constant 0 : i32
      %dma_start3A_70 = arith.constant 0 : i32
      %dma_start3A_71 = tpu.memref_slice %run_scoped3A_8[%rem3A_64, %dma_start3A_69, %dma_start3A_70] : memref<2x16x1024xf32, #tpu.memory_space<vmem>> -> memref<1x16x1024xf32, #tpu.memory_space<vmem>>
      %dma_start3A_72 = tpu.memref_squeeze %dma_start3A_71 : memref<1x16x1024xf32, #tpu.memory_space<vmem>> -> memref<16x1024xf32, #tpu.memory_space<vmem>>
      %dma_start3A_73 = arith.constant 0 : i32
      %dma_start3A_74 = tpu.memref_slice %arg3[%mul3A_68, %dma_start3A_73] : memref<8192x1024xf32, #tpu.memory_space<hbm>> -> memref<16x1024xf32, #tpu.memory_space<hbm>>
      %dma_start3A_75 = tpu.memref_slice %run_scoped3A_9[%rem3A_64] : memref<2x!tpu.dma_semaphore, #tpu.memory_space<semaphore_mem>> -> memref<1x!tpu.dma_semaphore, #tpu.memory_space<semaphore_mem>>
      %dma_start3A_76 = tpu.memref_squeeze %dma_start3A_75 : memref<1x!tpu.dma_semaphore, #tpu.memory_space<semaphore_mem>> -> memref<!tpu.dma_semaphore, #tpu.memory_space<semaphore_mem>>
      %dma_start3A_77 = arith.constant 0 : i32
      %dma_start3A_78 = arith.constant 0 : i32
      %dma_start3A_79 = tpu.memref_slice %run_scoped3A_8[%rem3A_64, %dma_start3A_77, %dma_start3A_78] : memref<2x16x1024xf32, #tpu.memory_space<vmem>> -> memref<1x16x1024xf32, #tpu.memory_space<vmem>>
      %dma_start3A_80 = tpu.memref_squeeze %dma_start3A_79 : memref<1x16x1024xf32, #tpu.memory_space<vmem>> -> memref<16x1024xf32, #tpu.memory_space<vmem>>
      %dma_start3A_81 = arith.constant 0 : i32
      %dma_start3A_82 = tpu.memref_slice %arg3[%mul3A_68, %dma_start3A_81] : memref<8192x1024xf32, #tpu.memory_space<hbm>> -> memref<16x1024xf32, #tpu.memory_space<hbm>>
      tpu.enqueue_dma source(%dma_start3A_82 : memref<16x1024xf32, #tpu.memory_space<hbm>>) target(%dma_start3A_80 : memref<16x1024xf32, #tpu.memory_space<vmem>>) target_semaphore(%dma_start3A_76 : memref<!tpu.dma_semaphore, #tpu.memory_space<semaphore_mem>>)
      %add3A_83 = arith.constant 0 : i32
      %add3A_84 = arith.constant 1 : i32
      %add3A_85 = arith.addi %add3A_83, %add3A_84 : i32
      %select_n3A_86 = arith.constant true
      %select_n3A_87 = arith.constant 0 : i32
      %select_n3A_88 = arith.select %select_n3A_86, %add3A_85, %select_n3A_87 : i32
      "tpu.trace_stop"() : () -> ()
      %scan3A = arith.constant 0 : i32
      %scan3A_89 = arith.constant 0 : i32
      %scan3A_90 = arith.constant 0 : i32
      %scan3A_91 = arith.constant 0 : i32
      %scan3A_92 = arith.constant 0 : i32
      %scan3A_93 = arith.constant 0 : i32
      %scan3A_94 = arith.constant 64 : i32
      %scan3A_95 = arith.addi %scan3A_93, %scan3A_94 : i32
      %scan3A_96 = arith.constant 1 : i32
      %scan3A_97:7 = scf.for %scan3A_151 = %scan3A_93 to %scan3A_95 step %scan3A_96 iter_args(%scan3A_152 = %select_n3A_61, %scan3A_153 = %scan3A, %scan3A_154 = %select_n3A_88, %scan3A_155 = %scan3A_89, %scan3A_156 = %scan3A_90, %scan3A_157 = %scan3A_91, %scan3A_158 = %scan3A_92) -> (i32, i32, i32, i32, i32, i32, i32)  : i32 {
        %eq3A_159 = arith.constant 0 : i32
        %eq3A_160 = arith.cmpi eq, %scan3A_151, %eq3A_159 : i32
        %eq3A_161 = arith.constant 63 : i32
        %eq3A_162 = arith.cmpi eq, %scan3A_151, %eq3A_161 : i32
        %add3A_163 = arith.addi %scan3A_158, %mul3A_6 : i32
        %sub3A_164 = arith.constant 1 : i32
        %sub3A_165 = arith.subi %scan3A_158, %sub3A_164 : i32
        %select_n3A_166 = arith.constant true
        %select_n3A_167 = arith.select %select_n3A_166, %sub3A_165, %scan3A_158 : i32
        %eq3A_168 = arith.constant -1 : i32
        %eq3A_169 = arith.cmpi eq, %select_n3A_167, %eq3A_168 : i32
        %select_n3A_170 = arith.constant 63 : i32
        %select_n3A_171 = arith.select %eq3A_169, %select_n3A_170, %select_n3A_167 : i32
        %add3A_172 = arith.addi %select_n3A_171, %mul3A_6 : i32
        %add3A_173 = arith.constant 1 : i32
        %add3A_174 = arith.addi %scan3A_158, %add3A_173 : i32
        %select_n3A_175 = arith.constant true
        %select_n3A_176 = arith.select %select_n3A_175, %add3A_174, %scan3A_158 : i32
        %eq3A_177 = arith.constant 64 : i32
        %eq3A_178 = arith.cmpi eq, %select_n3A_176, %eq3A_177 : i32
        %select_n3A_179 = arith.constant 0 : i32
        %select_n3A_180 = arith.select %eq3A_178, %select_n3A_179, %select_n3A_176 : i32
        %add3A_181 = arith.addi %select_n3A_180, %mul3A_6 : i32
        %add3A_182 = arith.constant 1 : i32
        %add3A_183 = arith.addi %select_n3A_180, %add3A_182 : i32
        %select_n3A_184 = arith.constant true
        %select_n3A_185 = arith.select %select_n3A_184, %add3A_183, %select_n3A_180 : i32
        %eq3A_186 = arith.constant 64 : i32
        %eq3A_187 = arith.cmpi eq, %select_n3A_185, %eq3A_186 : i32
        %select_n3A_188 = arith.constant 0 : i32
        %select_n3A_189 = arith.select %eq3A_187, %select_n3A_188, %select_n3A_185 : i32
        %add3A_190 = arith.addi %select_n3A_189, %mul3A_6 : i32
        %ne3A = arith.cmpi ne, %add3A_163, %add3A_181 : i32
        %or3A = arith.constant false
        %or3A_191 = arith.ori %or3A, %ne3A : i1
        %or3A_192 = arith.constant false
        %or3A_193 = arith.ori %or3A_191, %or3A_192 : i1
        %ge3A = arith.constant 63 : i32
        %ge3A_194 = arith.cmpi sge, %scan3A_151, %ge3A : i32
        %not3A = arith.constant true
        %not3A_195 = arith.xori %ge3A_194, %not3A : i1
        %and3A = arith.andi %or3A_193, %not3A_195 : i1
        %convert_element_type3A = arith.extui %and3A : i1 to i32
        %cond3A = arith.constant 0 : i32
        %cond3A_196 = arith.cmpi ne, %convert_element_type3A, %cond3A : i32
        scf.if %cond3A_196 {
          "tpu.trace_start"() <{level = 10 : i32, message = "ep_copy_in"}> : () -> ()
          %rem3A_392 = arith.constant 2 : i32
          %rem3A_393 = arith.remui %scan3A_152, %rem3A_392 : i32
          %mul3A_394 = arith.constant 16 : i32
          %mul3A_395 = arith.muli %mul3A_394, %add3A_181 : i32
          %dma_start3A_396 = arith.constant 0 : i32
          %dma_start3A_397 = arith.constant 0 : i32
          %dma_start3A_398 = tpu.memref_slice %run_scoped3A[%rem3A_393, %dma_start3A_396, %dma_start3A_397] : memref<2x16x1024xf32, #tpu.memory_space<vmem>> -> memref<1x16x1024xf32, #tpu.memory_space<vmem>>
          %dma_start3A_399 = tpu.memref_squeeze %dma_start3A_398 : memref<1x16x1024xf32, #tpu.memory_space<vmem>> -> memref<16x1024xf32, #tpu.memory_space<vmem>>
          %dma_start3A_400 = arith.constant 0 : i32
          %dma_start3A_401 = tpu.memref_slice %arg2[%mul3A_395, %dma_start3A_400] : memref<32768x1024xf32, #tpu.memory_space<hbm>> -> memref<16x1024xf32, #tpu.memory_space<hbm>>
          %dma_start3A_402 = tpu.memref_slice %run_scoped3A_7[%rem3A_393] : memref<2x!tpu.dma_semaphore, #tpu.memory_space<semaphore_mem>> -> memref<1x!tpu.dma_semaphore, #tpu.memory_space<semaphore_mem>>
          %dma_start3A_403 = tpu.memref_squeeze %dma_start3A_402 : memref<1x!tpu.dma_semaphore, #tpu.memory_space<semaphore_mem>> -> memref<!tpu.dma_semaphore, #tpu.memory_space<semaphore_mem>>
          %dma_start3A_404 = arith.constant 0 : i32
          %dma_start3A_405 = arith.constant 0 : i32
          %dma_start3A_406 = tpu.memref_slice %run_scoped3A[%rem3A_393, %dma_start3A_404, %dma_start3A_405] : memref<2x16x1024xf32, #tpu.memory_space<vmem>> -> memref<1x16x1024xf32, #tpu.memory_space<vmem>>
          %dma_start3A_407 = tpu.memref_squeeze %dma_start3A_406 : memref<1x16x1024xf32, #tpu.memory_space<vmem>> -> memref<16x1024xf32, #tpu.memory_space<vmem>>
          %dma_start3A_408 = arith.constant 0 : i32
          %dma_start3A_409 = tpu.memref_slice %arg2[%mul3A_395, %dma_start3A_408] : memref<32768x1024xf32, #tpu.memory_space<hbm>> -> memref<16x1024xf32, #tpu.memory_space<hbm>>
          tpu.enqueue_dma source(%dma_start3A_409 : memref<16x1024xf32, #tpu.memory_space<hbm>>) target(%dma_start3A_407 : memref<16x1024xf32, #tpu.memory_space<vmem>>) target_semaphore(%dma_start3A_403 : memref<!tpu.dma_semaphore, #tpu.memory_space<semaphore_mem>>)
          "tpu.trace_stop"() : () -> ()
        } else {
        }
        %and3A_197 = arith.constant true
        %and3A_198 = arith.andi %and3A, %and3A_197 : i1
        %add3A_199 = arith.constant 1 : i32
        %add3A_200 = arith.addi %scan3A_152, %add3A_199 : i32
        %select_n3A_201 = arith.select %and3A_198, %add3A_200, %scan3A_152 : i32
        %rem3A_202 = arith.constant 512 : i32
        %rem3A_203 = arith.remsi %add3A_163, %rem3A_202 : i32
        %rem3A_204 = arith.constant 512 : i32
        %rem3A_205 = arith.remsi %add3A_181, %rem3A_204 : i32
        %ne3A_206 = arith.cmpi ne, %rem3A_203, %rem3A_205 : i32
        %or3A_207 = arith.constant false
        %or3A_208 = arith.ori %or3A_207, %ne3A_206 : i1
        %or3A_209 = arith.constant false
        %or3A_210 = arith.ori %or3A_208, %or3A_209 : i1
        %ge3A_211 = arith.constant 63 : i32
        %ge3A_212 = arith.cmpi sge, %scan3A_151, %ge3A_211 : i32
        %not3A_213 = arith.constant true
        %not3A_214 = arith.xori %ge3A_212, %not3A_213 : i1
        %and3A_215 = arith.andi %or3A_210, %not3A_214 : i1
        %convert_element_type3A_216 = arith.extui %and3A_215 : i1 to i32
        %cond3A_217 = arith.constant 0 : i32
        %cond3A_218 = arith.cmpi ne, %convert_element_type3A_216, %cond3A_217 : i32
        scf.if %cond3A_218 {
          "tpu.trace_start"() <{level = 10 : i32, message = "ep_copy_in"}> : () -> ()
          %rem3A_392 = arith.constant 2 : i32
          %rem3A_393 = arith.remui %scan3A_154, %rem3A_392 : i32
          %rem3A_394 = arith.constant 512 : i32
          %rem3A_395 = arith.remsi %add3A_181, %rem3A_394 : i32
          %mul3A_396 = arith.constant 16 : i32
          %mul3A_397 = arith.muli %mul3A_396, %rem3A_395 : i32
          %dma_start3A_398 = arith.constant 0 : i32
          %dma_start3A_399 = arith.constant 0 : i32
          %dma_start3A_400 = tpu.memref_slice %run_scoped3A_8[%rem3A_393, %dma_start3A_398, %dma_start3A_399] : memref<2x16x1024xf32, #tpu.memory_space<vmem>> -> memref<1x16x1024xf32, #tpu.memory_space<vmem>>
          %dma_start3A_401 = tpu.memref_squeeze %dma_start3A_400 : memref<1x16x1024xf32, #tpu.memory_space<vmem>> -> memref<16x1024xf32, #tpu.memory_space<vmem>>
          %dma_start3A_402 = arith.constant 0 : i32
          %dma_start3A_403 = tpu.memref_slice %arg3[%mul3A_397, %dma_start3A_402] : memref<8192x1024xf32, #tpu.memory_space<hbm>> -> memref<16x1024xf32, #tpu.memory_space<hbm>>
          %dma_start3A_404 = tpu.memref_slice %run_scoped3A_9[%rem3A_393] : memref<2x!tpu.dma_semaphore, #tpu.memory_space<semaphore_mem>> -> memref<1x!tpu.dma_semaphore, #tpu.memory_space<semaphore_mem>>
          %dma_start3A_405 = tpu.memref_squeeze %dma_start3A_404 : memref<1x!tpu.dma_semaphore, #tpu.memory_space<semaphore_mem>> -> memref<!tpu.dma_semaphore, #tpu.memory_space<semaphore_mem>>
          %dma_start3A_406 = arith.constant 0 : i32
          %dma_start3A_407 = arith.constant 0 : i32
          %dma_start3A_408 = tpu.memref_slice %run_scoped3A_8[%rem3A_393, %dma_start3A_406, %dma_start3A_407] : memref<2x16x1024xf32, #tpu.memory_space<vmem>> -> memref<1x16x1024xf32, #tpu.memory_space<vmem>>
          %dma_start3A_409 = tpu.memref_squeeze %dma_start3A_408 : memref<1x16x1024xf32, #tpu.memory_space<vmem>> -> memref<16x1024xf32, #tpu.memory_space<vmem>>
          %dma_start3A_410 = arith.constant 0 : i32
          %dma_start3A_411 = tpu.memref_slice %arg3[%mul3A_397, %dma_start3A_410] : memref<8192x1024xf32, #tpu.memory_space<hbm>> -> memref<16x1024xf32, #tpu.memory_space<hbm>>
          tpu.enqueue_dma source(%dma_start3A_411 : memref<16x1024xf32, #tpu.memory_space<hbm>>) target(%dma_start3A_409 : memref<16x1024xf32, #tpu.memory_space<vmem>>) target_semaphore(%dma_start3A_405 : memref<!tpu.dma_semaphore, #tpu.memory_space<semaphore_mem>>)
          "tpu.trace_stop"() : () -> ()
        } else {
        }
        %and3A_219 = arith.constant true
        %and3A_220 = arith.andi %and3A_215, %and3A_219 : i1
        %add3A_221 = arith.constant 1 : i32
        %add3A_222 = arith.addi %scan3A_154, %add3A_221 : i32
        %select_n3A_223 = arith.select %and3A_220, %add3A_222, %scan3A_154 : i32
        %ne3A_224 = arith.cmpi ne, %add3A_163, %add3A_181 : i32
        %or3A_225 = arith.constant false
        %or3A_226 = arith.ori %or3A_225, %ne3A_224 : i1
        %or3A_227 = arith.constant false
        %or3A_228 = arith.ori %or3A_226, %or3A_227 : i1
        %ge3A_229 = arith.constant 63 : i32
        %ge3A_230 = arith.cmpi sge, %scan3A_151, %ge3A_229 : i32
        %not3A_231 = arith.constant true
        %not3A_232 = arith.xori %ge3A_230, %not3A_231 : i1
        %and3A_233 = arith.andi %or3A_228, %not3A_232 : i1
        %ne3A_234 = arith.cmpi ne, %add3A_163, %add3A_172 : i32
        %or3A_235 = arith.constant false
        %or3A_236 = arith.ori %or3A_235, %ne3A_234 : i1
        %or3A_237 = arith.constant false
        %or3A_238 = arith.ori %or3A_236, %or3A_237 : i1
        %or3A_239 = arith.ori %or3A_238, %eq3A_160 : i1
        %convert_element_type3A_240 = arith.extui %or3A_239 : i1 to i32
        %cond3A_241 = arith.constant 0 : i32
        %cond3A_242 = arith.cmpi ne, %convert_element_type3A_240, %cond3A_241 : i32
        scf.if %cond3A_242 {
          "tpu.trace_start"() <{level = 10 : i32, message = "ep_wait_in"}> : () -> ()
          %mul3A_392 = arith.constant 16 : i32
          %mul3A_393 = arith.muli %mul3A_392, %add3A_163 : i32
          %rem3A_394 = arith.constant 2 : i32
          %rem3A_395 = arith.remui %scan3A_153, %rem3A_394 : i32
          %dma_wait3A_396 = arith.constant 0 : i32
          %dma_wait3A_397 = arith.constant 0 : i32
          %dma_wait3A_398 = tpu.memref_slice %run_scoped3A[%rem3A_395, %dma_wait3A_396, %dma_wait3A_397] : memref<2x16x1024xf32, #tpu.memory_space<vmem>> -> memref<1x16x1024xf32, #tpu.memory_space<vmem>>
          %dma_wait3A_399 = tpu.memref_squeeze %dma_wait3A_398 : memref<1x16x1024xf32, #tpu.memory_space<vmem>> -> memref<16x1024xf32, #tpu.memory_space<vmem>>
          %dma_wait3A_400 = arith.constant 0 : i32
          %dma_wait3A_401 = tpu.memref_slice %arg2[%mul3A_393, %dma_wait3A_400] : memref<32768x1024xf32, #tpu.memory_space<hbm>> -> memref<16x1024xf32, #tpu.memory_space<hbm>>
          %dma_wait3A_402 = tpu.memref_slice %run_scoped3A_7[%rem3A_395] : memref<2x!tpu.dma_semaphore, #tpu.memory_space<semaphore_mem>> -> memref<1x!tpu.dma_semaphore, #tpu.memory_space<semaphore_mem>>
          %dma_wait3A_403 = tpu.memref_squeeze %dma_wait3A_402 : memref<1x!tpu.dma_semaphore, #tpu.memory_space<semaphore_mem>> -> memref<!tpu.dma_semaphore, #tpu.memory_space<semaphore_mem>>
          %dma_wait3A_404 = arith.constant 0 : i32
          %dma_wait3A_405 = arith.constant 0 : i32
          %dma_wait3A_406 = tpu.memref_slice %run_scoped3A[%rem3A_395, %dma_wait3A_404, %dma_wait3A_405] : memref<2x16x1024xf32, #tpu.memory_space<vmem>> -> memref<1x16x1024xf32, #tpu.memory_space<vmem>>
          %dma_wait3A_407 = tpu.memref_squeeze %dma_wait3A_406 : memref<1x16x1024xf32, #tpu.memory_space<vmem>> -> memref<16x1024xf32, #tpu.memory_space<vmem>>
          %dma_wait3A_408 = arith.constant 0 : i32
          %dma_wait3A_409 = tpu.memref_slice %arg2[%mul3A_393, %dma_wait3A_408] : memref<32768x1024xf32, #tpu.memory_space<hbm>> -> memref<16x1024xf32, #tpu.memory_space<hbm>>
          tpu.wait_dma2 semaphore(%dma_wait3A_403 : memref<!tpu.dma_semaphore, #tpu.memory_space<semaphore_mem>>) src(%dma_wait3A_409 : memref<16x1024xf32, #tpu.memory_space<hbm>>) dst(%dma_wait3A_407 : memref<16x1024xf32, #tpu.memory_space<vmem>>)
          "tpu.trace_stop"() : () -> ()
        } else {
        }
        %rem3A_243 = arith.constant 512 : i32
        %rem3A_244 = arith.remsi %add3A_163, %rem3A_243 : i32
        %rem3A_245 = arith.constant 512 : i32
        %rem3A_246 = arith.remsi %add3A_172, %rem3A_245 : i32
        %ne3A_247 = arith.cmpi ne, %rem3A_244, %rem3A_246 : i32
        %or3A_248 = arith.constant false
        %or3A_249 = arith.ori %or3A_248, %ne3A_247 : i1
        %or3A_250 = arith.constant false
        %or3A_251 = arith.ori %or3A_249, %or3A_250 : i1
        %or3A_252 = arith.ori %or3A_251, %eq3A_160 : i1
        %convert_element_type3A_253 = arith.extui %or3A_252 : i1 to i32
        %cond3A_254 = arith.constant 0 : i32
        %cond3A_255 = arith.cmpi ne, %convert_element_type3A_253, %cond3A_254 : i32
        scf.if %cond3A_255 {
          "tpu.trace_start"() <{level = 10 : i32, message = "ep_wait_in"}> : () -> ()
          %rem3A_392 = arith.constant 512 : i32
          %rem3A_393 = arith.remsi %add3A_163, %rem3A_392 : i32
          %mul3A_394 = arith.constant 16 : i32
          %mul3A_395 = arith.muli %mul3A_394, %rem3A_393 : i32
          %rem3A_396 = arith.constant 2 : i32
          %rem3A_397 = arith.remui %scan3A_155, %rem3A_396 : i32
          %dma_wait3A_398 = arith.constant 0 : i32
          %dma_wait3A_399 = arith.constant 0 : i32
          %dma_wait3A_400 = tpu.memref_slice %run_scoped3A_8[%rem3A_397, %dma_wait3A_398, %dma_wait3A_399] : memref<2x16x1024xf32, #tpu.memory_space<vmem>> -> memref<1x16x1024xf32, #tpu.memory_space<vmem>>
          %dma_wait3A_401 = tpu.memref_squeeze %dma_wait3A_400 : memref<1x16x1024xf32, #tpu.memory_space<vmem>> -> memref<16x1024xf32, #tpu.memory_space<vmem>>
          %dma_wait3A_402 = arith.constant 0 : i32
          %dma_wait3A_403 = tpu.memref_slice %arg3[%mul3A_395, %dma_wait3A_402] : memref<8192x1024xf32, #tpu.memory_space<hbm>> -> memref<16x1024xf32, #tpu.memory_space<hbm>>
          %dma_wait3A_404 = tpu.memref_slice %run_scoped3A_9[%rem3A_397] : memref<2x!tpu.dma_semaphore, #tpu.memory_space<semaphore_mem>> -> memref<1x!tpu.dma_semaphore, #tpu.memory_space<semaphore_mem>>
          %dma_wait3A_405 = tpu.memref_squeeze %dma_wait3A_404 : memref<1x!tpu.dma_semaphore, #tpu.memory_space<semaphore_mem>> -> memref<!tpu.dma_semaphore, #tpu.memory_space<semaphore_mem>>
          %dma_wait3A_406 = arith.constant 0 : i32
          %dma_wait3A_407 = arith.constant 0 : i32
          %dma_wait3A_408 = tpu.memref_slice %run_scoped3A_8[%rem3A_397, %dma_wait3A_406, %dma_wait3A_407] : memref<2x16x1024xf32, #tpu.memory_space<vmem>> -> memref<1x16x1024xf32, #tpu.memory_space<vmem>>
          %dma_wait3A_409 = tpu.memref_squeeze %dma_wait3A_408 : memref<1x16x1024xf32, #tpu.memory_space<vmem>> -> memref<16x1024xf32, #tpu.memory_space<vmem>>
          %dma_wait3A_410 = arith.constant 0 : i32
          %dma_wait3A_411 = tpu.memref_slice %arg3[%mul3A_395, %dma_wait3A_410] : memref<8192x1024xf32, #tpu.memory_space<hbm>> -> memref<16x1024xf32, #tpu.memory_space<hbm>>
          tpu.wait_dma2 semaphore(%dma_wait3A_405 : memref<!tpu.dma_semaphore, #tpu.memory_space<semaphore_mem>>) src(%dma_wait3A_411 : memref<16x1024xf32, #tpu.memory_space<hbm>>) dst(%dma_wait3A_409 : memref<16x1024xf32, #tpu.memory_space<vmem>>)
          "tpu.trace_stop"() : () -> ()
        } else {
        }
        %ne3A_256 = arith.cmpi ne, %add3A_163, %add3A_172 : i32
        %or3A_257 = arith.constant false
        %or3A_258 = arith.ori %or3A_257, %ne3A_256 : i1
        %or3A_259 = arith.constant false
        %or3A_260 = arith.ori %or3A_258, %or3A_259 : i1
        %or3A_261 = arith.ori %or3A_260, %eq3A_160 : i1
        %convert_element_type3A_262 = arith.extui %or3A_261 : i1 to i32
        %cond3A_263 = arith.constant 0 : i32
        %cond3A_264 = arith.cmpi ne, %convert_element_type3A_262, %cond3A_263 : i32
        scf.if %cond3A_264 {
        } else {
        }
        %rem3A_265 = arith.constant 2 : i32
        %rem3A_266 = arith.remui %scan3A_153, %rem3A_265 : i32
        %rem3A_267 = arith.constant 2 : i32
        %rem3A_268 = arith.remui %scan3A_155, %rem3A_267 : i32
        %rem3A_269 = arith.constant 2 : i32
        %rem3A_270 = arith.remui %scan3A_156, %rem3A_269 : i32
        "tpu.trace_start"() <{level = 10 : i32, message = "ep_run_kernel"}> : () -> ()
        %scan3A_271 = arith.constant 0 : i32
        %scan3A_272 = arith.constant 16 : i32
        %scan3A_273 = arith.addi %scan3A_271, %scan3A_272 : i32
        %scan3A_274 = arith.constant 1 : i32
        scf.for %scan3A_392 = %scan3A_271 to %scan3A_273 step %scan3A_274  : i32 {
          %mul3A_393 = arith.constant 1 : i32
          %mul3A_394 = arith.muli %scan3A_392, %mul3A_393 : i32
          %add3A_395 = arith.constant 0 : i32
          %add3A_396 = arith.addi %add3A_395, %mul3A_394 : i32
          %scan3A_397 = arith.constant 0 : i32
          %scan3A_398 = arith.constant 64 : i32
          %scan3A_399 = arith.addi %scan3A_397, %scan3A_398 : i32
          %scan3A_400 = arith.constant 1 : i32
          scf.for %scan3A_402 = %scan3A_397 to %scan3A_399 step %scan3A_400  : i32 {
            %mul3A_403 = arith.constant 16 : i32
            %mul3A_404 = arith.muli %scan3A_402, %mul3A_403 : i32
            %add3A_405 = arith.constant 0 : i32
            %add3A_406 = arith.addi %add3A_405, %mul3A_404 : i32
            %get3A = arith.constant 0 : i32
            %get3A_407 = arith.constant 0 : i32
            %get3A_408 = tpu.memref_slice %run_scoped3A[%rem3A_266, %get3A, %get3A_407] : memref<2x16x1024xf32, #tpu.memory_space<vmem>> -> memref<1x16x1024xf32, #tpu.memory_space<vmem>>
            %get3A_409 = tpu.memref_squeeze %get3A_408 : memref<1x16x1024xf32, #tpu.memory_space<vmem>> -> memref<16x1024xf32, #tpu.memory_space<vmem>>
            %get3A_410 = arith.index_cast %add3A_396 : i32 to index
            %get3A_411 = arith.index_cast %add3A_406 : i32 to index
            %get3A_412 = tpu.vector_load %get3A_409[%get3A_410, %get3A_411] {strides = array<i32>} : memref<16x1024xf32, #tpu.memory_space<vmem>>, vector<1x16xf32>,
            %get3A_413 = vector.shape_cast %get3A_412 : vector<1x16xf32> to vector<1x16xf32>
            %get3A_414 = arith.constant 0 : i32
            %get3A_415 = arith.constant 0 : i32
            %get3A_416 = tpu.memref_slice %run_scoped3A_8[%rem3A_268, %get3A_414, %get3A_415] : memref<2x16x1024xf32, #tpu.memory_space<vmem>> -> memref<1x16x1024xf32, #tpu.memory_space<vmem>>
            %get3A_417 = tpu.memref_squeeze %get3A_416 : memref<1x16x1024xf32, #tpu.memory_space<vmem>> -> memref<16x1024xf32, #tpu.memory_space<vmem>>
            %get3A_418 = arith.index_cast %add3A_396 : i32 to index
            %get3A_419 = arith.index_cast %add3A_406 : i32 to index
            %get3A_420 = tpu.vector_load %get3A_417[%get3A_418, %get3A_419] {strides = array<i32>} : memref<16x1024xf32, #tpu.memory_space<vmem>>, vector<1x16xf32>,
            %get3A_421 = vector.shape_cast %get3A_420 : vector<1x16xf32> to vector<1x16xf32>
            %add3A_422 = arith.addf %get3A_413, %get3A_421 : vector<1x16xf32>
            %swap3A = arith.constant 0 : i32
            %swap3A_423 = arith.constant 0 : i32
            %swap3A_424 = tpu.memref_slice %run_scoped3A_10[%rem3A_270, %swap3A, %swap3A_423] : memref<2x16x1024xf32, #tpu.memory_space<vmem>> -> memref<1x16x1024xf32, #tpu.memory_space<vmem>>
            %swap3A_425 = tpu.memref_squeeze %swap3A_424 : memref<1x16x1024xf32, #tpu.memory_space<vmem>> -> memref<16x1024xf32, #tpu.memory_space<vmem>>
            %swap3A_426 = arith.index_cast %add3A_396 : i32 to index
            %swap3A_427 = arith.index_cast %add3A_406 : i32 to index
            %swap3A_428 = tpu.vector_load %swap3A_425[%swap3A_426, %swap3A_427] {strides = array<i32>} : memref<16x1024xf32, #tpu.memory_space<vmem>>, vector<1x16xf32>,
            %swap3A_429 = vector.shape_cast %swap3A_428 : vector<1x16xf32> to vector<1x16xf32>
            %swap3A_430 = vector.shape_cast %add3A_422 : vector<1x16xf32> to vector<1x16xf32>
            tpu.vector_store %swap3A_425[%swap3A_426, %swap3A_427], %swap3A_430 {strides = array<i32>} : memref<16x1024xf32, #tpu.memory_space<vmem>>, vector<1x16xf32>,
          }
          %scan3A_401 = arith.constant 64 : i32
        }
        %scan3A_275 = arith.constant 16 : i32
        "tpu.trace_stop"() : () -> ()
        %ne3A_276 = arith.cmpi ne, %add3A_163, %add3A_181 : i32
        %or3A_277 = arith.constant false
        %or3A_278 = arith.ori %or3A_277, %ne3A_276 : i1
        %or3A_279 = arith.constant false
        %or3A_280 = arith.ori %or3A_278, %or3A_279 : i1
        %or3A_281 = arith.ori %or3A_280, %eq3A_162 : i1
        %convert_element_type3A_282 = arith.extui %or3A_281 : i1 to i32
        %cond3A_283 = arith.constant 0 : i32
        %cond3A_284 = arith.cmpi ne, %convert_element_type3A_282, %cond3A_283 : i32
        scf.if %cond3A_284 {
        } else {
        }
        %and3A_285 = arith.constant false
        %and3A_286 = arith.andi %or3A_281, %and3A_285 : i1
        %rem3A_287 = arith.constant 512 : i32
        %rem3A_288 = arith.remsi %add3A_163, %rem3A_287 : i32
        %rem3A_289 = arith.constant 512 : i32
        %rem3A_290 = arith.remsi %add3A_181, %rem3A_289 : i32
        %ne3A_291 = arith.cmpi ne, %rem3A_288, %rem3A_290 : i32
        %or3A_292 = arith.constant false
        %or3A_293 = arith.ori %or3A_292, %ne3A_291 : i1
        %or3A_294 = arith.constant false
        %or3A_295 = arith.ori %or3A_293, %or3A_294 : i1
        %or3A_296 = arith.ori %or3A_295, %eq3A_162 : i1
        %convert_element_type3A_297 = arith.extui %or3A_296 : i1 to i32
        %cond3A_298 = arith.constant 0 : i32
        %cond3A_299 = arith.cmpi ne, %convert_element_type3A_297, %cond3A_298 : i32
        scf.if %cond3A_299 {
        } else {
        }
        %and3A_300 = arith.constant false
        %and3A_301 = arith.andi %or3A_296, %and3A_300 : i1
        %ne3A_302 = arith.cmpi ne, %add3A_163, %add3A_181 : i32
        %or3A_303 = arith.constant false
        %or3A_304 = arith.ori %or3A_303, %ne3A_302 : i1
        %or3A_305 = arith.constant false
        %or3A_306 = arith.ori %or3A_304, %or3A_305 : i1
        %or3A_307 = arith.ori %or3A_306, %eq3A_162 : i1
        %convert_element_type3A_308 = arith.extui %or3A_307 : i1 to i32
        %cond3A_309 = arith.constant 0 : i32
        %cond3A_310 = arith.cmpi ne, %convert_element_type3A_308, %cond3A_309 : i32
        scf.if %cond3A_310 {
          "tpu.trace_start"() <{level = 10 : i32, message = "ep_copy_out"}> : () -> ()
          %rem3A_392 = arith.constant 2 : i32
          %rem3A_393 = arith.remui %scan3A_156, %rem3A_392 : i32
          %mul3A_394 = arith.constant 16 : i32
          %mul3A_395 = arith.muli %mul3A_394, %add3A_163 : i32
          %dma_start3A_396 = arith.constant 0 : i32
          %dma_start3A_397 = arith.constant 0 : i32
          %dma_start3A_398 = tpu.memref_slice %run_scoped3A_10[%rem3A_393, %dma_start3A_396, %dma_start3A_397] : memref<2x16x1024xf32, #tpu.memory_space<vmem>> -> memref<1x16x1024xf32, #tpu.memory_space<vmem>>
          %dma_start3A_399 = tpu.memref_squeeze %dma_start3A_398 : memref<1x16x1024xf32, #tpu.memory_space<vmem>> -> memref<16x1024xf32, #tpu.memory_space<vmem>>
          %dma_start3A_400 = arith.constant 0 : i32
          %dma_start3A_401 = tpu.memref_slice %arg4[%mul3A_395, %dma_start3A_400] : memref<32768x1024xf32, #tpu.memory_space<hbm>> -> memref<16x1024xf32, #tpu.memory_space<hbm>>
          %dma_start3A_402 = tpu.memref_slice %run_scoped3A_11[%rem3A_393] : memref<2x!tpu.dma_semaphore, #tpu.memory_space<semaphore_mem>> -> memref<1x!tpu.dma_semaphore, #tpu.memory_space<semaphore_mem>>
          %dma_start3A_403 = tpu.memref_squeeze %dma_start3A_402 : memref<1x!tpu.dma_semaphore, #tpu.memory_space<semaphore_mem>> -> memref<!tpu.dma_semaphore, #tpu.memory_space<semaphore_mem>>
          %dma_start3A_404 = arith.constant 0 : i32
          %dma_start3A_405 = tpu.memref_slice %arg4[%mul3A_395, %dma_start3A_404] : memref<32768x1024xf32, #tpu.memory_space<hbm>> -> memref<16x1024xf32, #tpu.memory_space<hbm>>
          %dma_start3A_406 = arith.constant 0 : i32
          %dma_start3A_407 = arith.constant 0 : i32
          %dma_start3A_408 = tpu.memref_slice %run_scoped3A_10[%rem3A_393, %dma_start3A_406, %dma_start3A_407] : memref<2x16x1024xf32, #tpu.memory_space<vmem>> -> memref<1x16x1024xf32, #tpu.memory_space<vmem>>
          %dma_start3A_409 = tpu.memref_squeeze %dma_start3A_408 : memref<1x16x1024xf32, #tpu.memory_space<vmem>> -> memref<16x1024xf32, #tpu.memory_space<vmem>>
          tpu.enqueue_dma source(%dma_start3A_409 : memref<16x1024xf32, #tpu.memory_space<vmem>>) target(%dma_start3A_405 : memref<16x1024xf32, #tpu.memory_space<hbm>>) target_semaphore(%dma_start3A_403 : memref<!tpu.dma_semaphore, #tpu.memory_space<semaphore_mem>>)
          "tpu.trace_stop"() : () -> ()
        } else {
        }
        %and3A_311 = arith.constant true
        %and3A_312 = arith.andi %or3A_307, %and3A_311 : i1
        %add3A_313 = arith.constant 1 : i32
        %add3A_314 = arith.addi %scan3A_156, %add3A_313 : i32
        %select_n3A_315 = arith.select %and3A_312, %add3A_314, %scan3A_156 : i32
        %ne3A_316 = arith.cmpi ne, %add3A_163, %add3A_172 : i32
        %or3A_317 = arith.constant false
        %or3A_318 = arith.ori %or3A_317, %ne3A_316 : i1
        %or3A_319 = arith.constant false
        %or3A_320 = arith.ori %or3A_318, %or3A_319 : i1
        %not3A_321 = arith.constant true
        %not3A_322 = arith.xori %eq3A_160, %not3A_321 : i1
        %and3A_323 = arith.andi %or3A_320, %not3A_322 : i1
        %convert_element_type3A_324 = arith.extui %and3A_323 : i1 to i32
        %cond3A_325 = arith.constant 0 : i32
        %cond3A_326 = arith.cmpi ne, %convert_element_type3A_324, %cond3A_325 : i32
        scf.if %cond3A_326 {
        } else {
        }
        %and3A_327 = arith.constant false
        %and3A_328 = arith.andi %and3A_323, %and3A_327 : i1
        %rem3A_329 = arith.constant 512 : i32
        %rem3A_330 = arith.remsi %add3A_163, %rem3A_329 : i32
        %rem3A_331 = arith.constant 512 : i32
        %rem3A_332 = arith.remsi %add3A_172, %rem3A_331 : i32
        %ne3A_333 = arith.cmpi ne, %rem3A_330, %rem3A_332 : i32
        %or3A_334 = arith.constant false
        %or3A_335 = arith.ori %or3A_334, %ne3A_333 : i1
        %or3A_336 = arith.constant false
        %or3A_337 = arith.ori %or3A_335, %or3A_336 : i1
        %not3A_338 = arith.constant true
        %not3A_339 = arith.xori %eq3A_160, %not3A_338 : i1
        %and3A_340 = arith.andi %or3A_337, %not3A_339 : i1
        %convert_element_type3A_341 = arith.extui %and3A_340 : i1 to i32
        %cond3A_342 = arith.constant 0 : i32
        %cond3A_343 = arith.cmpi ne, %convert_element_type3A_341, %cond3A_342 : i32
        scf.if %cond3A_343 {
        } else {
        }
        %and3A_344 = arith.constant false
        %and3A_345 = arith.andi %and3A_340, %and3A_344 : i1
        %ne3A_346 = arith.cmpi ne, %add3A_163, %add3A_172 : i32
        %or3A_347 = arith.constant false
        %or3A_348 = arith.ori %or3A_347, %ne3A_346 : i1
        %or3A_349 = arith.constant false
        %or3A_350 = arith.ori %or3A_348, %or3A_349 : i1
        %not3A_351 = arith.constant true
        %not3A_352 = arith.xori %eq3A_160, %not3A_351 : i1
        %and3A_353 = arith.andi %or3A_350, %not3A_352 : i1
        %convert_element_type3A_354 = arith.extui %and3A_353 : i1 to i32
        %cond3A_355 = arith.constant 0 : i32
        %cond3A_356 = arith.cmpi ne, %convert_element_type3A_354, %cond3A_355 : i32
        scf.if %cond3A_356 {
          "tpu.trace_start"() <{level = 10 : i32, message = "ep_wait_out"}> : () -> ()
          %rem3A_392 = arith.constant 2 : i32
          %rem3A_393 = arith.remui %scan3A_157, %rem3A_392 : i32
          %mul3A_394 = arith.constant 16 : i32
          %mul3A_395 = arith.muli %mul3A_394, %add3A_172 : i32
          %dma_wait3A_396 = arith.constant 0 : i32
          %dma_wait3A_397 = arith.constant 0 : i32
          %dma_wait3A_398 = tpu.memref_slice %run_scoped3A_10[%rem3A_393, %dma_wait3A_396, %dma_wait3A_397] : memref<2x16x1024xf32, #tpu.memory_space<vmem>> -> memref<1x16x1024xf32, #tpu.memory_space<vmem>>
          %dma_wait3A_399 = tpu.memref_squeeze %dma_wait3A_398 : memref<1x16x1024xf32, #tpu.memory_space<vmem>> -> memref<16x1024xf32, #tpu.memory_space<vmem>>
          %dma_wait3A_400 = arith.constant 0 : i32
          %dma_wait3A_401 = tpu.memref_slice %arg4[%mul3A_395, %dma_wait3A_400] : memref<32768x1024xf32, #tpu.memory_space<hbm>> -> memref<16x1024xf32, #tpu.memory_space<hbm>>
          %dma_wait3A_402 = tpu.memref_slice %run_scoped3A_11[%rem3A_393] : memref<2x!tpu.dma_semaphore, #tpu.memory_space<semaphore_mem>> -> memref<1x!tpu.dma_semaphore, #tpu.memory_space<semaphore_mem>>
          %dma_wait3A_403 = tpu.memref_squeeze %dma_wait3A_402 : memref<1x!tpu.dma_semaphore, #tpu.memory_space<semaphore_mem>> -> memref<!tpu.dma_semaphore, #tpu.memory_space<semaphore_mem>>
          %dma_wait3A_404 = arith.constant 0 : i32
          %dma_wait3A_405 = tpu.memref_slice %arg4[%mul3A_395, %dma_wait3A_404] : memref<32768x1024xf32, #tpu.memory_space<hbm>> -> memref<16x1024xf32, #tpu.memory_space<hbm>>
          %dma_wait3A_406 = arith.constant 0 : i32
          %dma_wait3A_407 = arith.constant 0 : i32
          %dma_wait3A_408 = tpu.memref_slice %run_scoped3A_10[%rem3A_393, %dma_wait3A_406, %dma_wait3A_407] : memref<2x16x1024xf32, #tpu.memory_space<vmem>> -> memref<1x16x1024xf32, #tpu.memory_space<vmem>>
          %dma_wait3A_409 = tpu.memref_squeeze %dma_wait3A_408 : memref<1x16x1024xf32, #tpu.memory_space<vmem>> -> memref<16x1024xf32, #tpu.memory_space<vmem>>
          tpu.wait_dma2 semaphore(%dma_wait3A_403 : memref<!tpu.dma_semaphore, #tpu.memory_space<semaphore_mem>>) src(%dma_wait3A_409 : memref<16x1024xf32, #tpu.memory_space<vmem>>) dst(%dma_wait3A_405 : memref<16x1024xf32, #tpu.memory_space<hbm>>)
          "tpu.trace_stop"() : () -> ()
        } else {
        }
        %and3A_357 = arith.constant true
        %and3A_358 = arith.andi %and3A_353, %and3A_357 : i1
        %add3A_359 = arith.constant 1 : i32
        %add3A_360 = arith.addi %scan3A_157, %add3A_359 : i32
        %select_n3A_361 = arith.select %and3A_358, %add3A_360, %scan3A_157 : i32
        %ne3A_362 = arith.cmpi ne, %add3A_163, %add3A_181 : i32
        %or3A_363 = arith.constant false
        %or3A_364 = arith.ori %or3A_363, %ne3A_362 : i1
        %or3A_365 = arith.constant false
        %or3A_366 = arith.ori %or3A_364, %or3A_365 : i1
        %or3A_367 = arith.ori %or3A_366, %eq3A_162 : i1
        %add3A_368 = arith.constant 1 : i32
        %add3A_369 = arith.addi %scan3A_153, %add3A_368 : i32
        %select_n3A_370 = arith.select %or3A_367, %add3A_369, %scan3A_153 : i32
        %rem3A_371 = arith.constant 512 : i32
        %rem3A_372 = arith.remsi %add3A_163, %rem3A_371 : i32
        %rem3A_373 = arith.constant 512 : i32
        %rem3A_374 = arith.remsi %add3A_181, %rem3A_373 : i32
        %ne3A_375 = arith.cmpi ne, %rem3A_372, %rem3A_374 : i32
        %or3A_376 = arith.constant false
        %or3A_377 = arith.ori %or3A_376, %ne3A_375 : i1
        %or3A_378 = arith.constant false
        %or3A_379 = arith.ori %or3A_377, %or3A_378 : i1
        %or3A_380 = arith.ori %or3A_379, %eq3A_162 : i1
        %add3A_381 = arith.constant 1 : i32
        %add3A_382 = arith.addi %scan3A_155, %add3A_381 : i32
        %select_n3A_383 = arith.select %or3A_380, %add3A_382, %scan3A_155 : i32
        %add3A_384 = arith.constant 1 : i32
        %add3A_385 = arith.addi %scan3A_158, %add3A_384 : i32
        %select_n3A_386 = arith.constant true
        %select_n3A_387 = arith.select %select_n3A_386, %add3A_385, %scan3A_158 : i32
        %eq3A_388 = arith.constant 64 : i32
        %eq3A_389 = arith.cmpi eq, %select_n3A_387, %eq3A_388 : i32
        %select_n3A_390 = arith.constant 0 : i32
        %select_n3A_391 = arith.select %eq3A_389, %select_n3A_390, %select_n3A_387 : i32
        scf.yield %select_n3A_201, %select_n3A_370, %select_n3A_223, %select_n3A_383, %select_n3A_315, %select_n3A_361, %select_n3A_391 : i32, i32, i32, i32, i32, i32, i32
      }
      %scan3A_98 = arith.constant 64 : i32
      %sub3A = arith.constant 1 : i32
      %sub3A_99 = arith.subi %scan3A_97#6, %sub3A : i32
      %select_n3A_100 = arith.constant true
      %select_n3A_101 = arith.select %select_n3A_100, %sub3A_99, %scan3A_97#6 : i32
      %eq3A_102 = arith.constant -1 : i32
      %eq3A_103 = arith.cmpi eq, %select_n3A_101, %eq3A_102 : i32
      %select_n3A_104 = arith.constant 63 : i32
      %select_n3A_105 = arith.select %eq3A_103, %select_n3A_104, %select_n3A_101 : i32
      %add3A_106 = arith.addi %select_n3A_105, %mul3A_6 : i32
      %sub3A_107 = arith.constant 1 : i32
      %sub3A_108 = arith.subi %select_n3A_105, %sub3A_107 : i32
      %select_n3A_109 = arith.constant true
      %select_n3A_110 = arith.select %select_n3A_109, %sub3A_108, %select_n3A_105 : i32
      %eq3A_111 = arith.constant -1 : i32
      %eq3A_112 = arith.cmpi eq, %select_n3A_110, %eq3A_111 : i32
      %select_n3A_113 = arith.constant 63 : i32
      %select_n3A_114 = arith.select %eq3A_112, %select_n3A_113, %select_n3A_110 : i32
      %add3A_115 = arith.addi %select_n3A_114, %mul3A_6 : i32
      %add3A_116 = arith.constant 1 : i32
      %add3A_117 = arith.addi %select_n3A_105, %add3A_116 : i32
      %select_n3A_118 = arith.constant true
      %select_n3A_119 = arith.select %select_n3A_118, %add3A_117, %select_n3A_105 : i32
      %eq3A_120 = arith.constant 64 : i32
      %eq3A_121 = arith.cmpi eq, %select_n3A_119, %eq3A_120 : i32
      %select_n3A_122 = arith.constant 0 : i32
      %select_n3A_123 = arith.select %eq3A_121, %select_n3A_122, %select_n3A_119 : i32
      %add3A_124 = arith.addi %select_n3A_123, %mul3A_6 : i32
      %add3A_125 = arith.constant 1 : i32
      %add3A_126 = arith.addi %select_n3A_123, %add3A_125 : i32
      %select_n3A_127 = arith.constant true
      %select_n3A_128 = arith.select %select_n3A_127, %add3A_126, %select_n3A_123 : i32
      %eq3A_129 = arith.constant 64 : i32
      %eq3A_130 = arith.cmpi eq, %select_n3A_128, %eq3A_129 : i32
      %select_n3A_131 = arith.constant 0 : i32
      %select_n3A_132 = arith.select %eq3A_130, %select_n3A_131, %select_n3A_128 : i32
      %add3A_133 = arith.addi %select_n3A_132, %mul3A_6 : i32
      "tpu.trace_start"() <{level = 10 : i32, message = "ep_finalize"}> : () -> ()
      %rem3A_134 = arith.constant 2 : i32
      %rem3A_135 = arith.remui %scan3A_97#5, %rem3A_134 : i32
      %mul3A_136 = arith.constant 16 : i32
      %mul3A_137 = arith.muli %mul3A_136, %add3A_106 : i32
      %dma_wait3A = arith.constant 0 : i32
      %dma_wait3A_138 = arith.constant 0 : i32
      %dma_wait3A_139 = tpu.memref_slice %run_scoped3A_10[%rem3A_135, %dma_wait3A, %dma_wait3A_138] : memref<2x16x1024xf32, #tpu.memory_space<vmem>> -> memref<1x16x1024xf32, #tpu.memory_space<vmem>>
      %dma_wait3A_140 = tpu.memref_squeeze %dma_wait3A_139 : memref<1x16x1024xf32, #tpu.memory_space<vmem>> -> memref<16x1024xf32, #tpu.memory_space<vmem>>
      %dma_wait3A_141 = arith.constant 0 : i32
      %dma_wait3A_142 = tpu.memref_slice %arg4[%mul3A_137, %dma_wait3A_141] : memref<32768x1024xf32, #tpu.memory_space<hbm>> -> memref<16x1024xf32, #tpu.memory_space<hbm>>
      %dma_wait3A_143 = tpu.memref_slice %run_scoped3A_11[%rem3A_135] : memref<2x!tpu.dma_semaphore, #tpu.memory_space<semaphore_mem>> -> memref<1x!tpu.dma_semaphore, #tpu.memory_space<semaphore_mem>>
      %dma_wait3A_144 = tpu.memref_squeeze %dma_wait3A_143 : memref<1x!tpu.dma_semaphore, #tpu.memory_space<semaphore_mem>> -> memref<!tpu.dma_semaphore, #tpu.memory_space<semaphore_mem>>
      %dma_wait3A_145 = arith.constant 0 : i32
      %dma_wait3A_146 = tpu.memref_slice %arg4[%mul3A_137, %dma_wait3A_145] : memref<32768x1024xf32, #tpu.memory_space<hbm>> -> memref<16x1024xf32, #tpu.memory_space<hbm>>
      %dma_wait3A_147 = arith.constant 0 : i32
      %dma_wait3A_148 = arith.constant 0 : i32
      %dma_wait3A_149 = tpu.memref_slice %run_scoped3A_10[%rem3A_135, %dma_wait3A_147, %dma_wait3A_148] : memref<2x16x1024xf32, #tpu.memory_space<vmem>> -> memref<1x16x1024xf32, #tpu.memory_space<vmem>>
      %dma_wait3A_150 = tpu.memref_squeeze %dma_wait3A_149 : memref<1x16x1024xf32, #tpu.memory_space<vmem>> -> memref<16x1024xf32, #tpu.memory_space<vmem>>
      tpu.wait_dma2 semaphore(%dma_wait3A_144 : memref<!tpu.dma_semaphore, #tpu.memory_space<semaphore_mem>>) src(%dma_wait3A_150 : memref<16x1024xf32, #tpu.memory_space<vmem>>) dst(%dma_wait3A_146 : memref<16x1024xf32, #tpu.memory_space<hbm>>)
      "tpu.trace_stop"() : () -> ()
      tpu.yield
    }) : () -> ()
    return
  }
}

</mosaic_0001>

<sc_bundles>
// kernel: kernel.3.cloned.1.call-start
scs
__scs_entry_jumppad:
0x0: {  	(pc) =	sbr.rel $0x88, $3  }
0x1: {  	(tag) =	ssettag $0x0;
	lr =	simm.s32 $0x1  }
0x2: {  	[smem:$0x3F9F] =	sst lr;
	_ =	strace $0xD0000000  }
0x3: {  	_ = 	snop  }
0x4: {  	_ = 	snop  }
0x5: {  	_ = 	snop  }
0x6: {  	_ = 	snop  }
0x7: {  	_ = 	snop  }
__scs_overlays_trampoline_lowered:
0x8: {  	[smem:$0x3FAE] =	sst s0  }
0x9: {  	[smem:$0x3FAF] =	sst s1  }
0xa: {  	[smem:$0x3FB0] =	sst s2  }
0xb: {  	[smem:$0x3FB1] =	sst s3  }
0xc: {  	[smem:$0x3FB2] =	sst s4  }
0xd: {  	[smem:$0x3FB3] =	sst s5  }
0xe: {  	[smem:$0x3FB4] =	sst s6  }
0xf: {  	[smem:$0x3FB5] =	sst s7  }
0x10: {  	[smem:$0x3FB6] =	sst s8  }
0x11: {  	[smem:$0x3FB7] =	sst s9;
	s0 =	simm.s32 @!p0 $0x0  }
0x12: {  	s1 =	sld [smem:$0x3F9D];
	s0 =	simm.s32 @p0 $0x1  }
0x13: {  	[smem:$0x3FB8] =	sst s0;
	s0 =	simm.s32 @!p1 $0x0  }
0x14: {  	s2 =	sld [smem:$0x3F9C];
	s0 =	simm.s32 @p1 $0x1  }
0x15: {  	[smem:$0x3FB9] =	sst s0;
	s0 =	simm.s32 @!p2 $0x0  }
0x16: {  	s3 =	sld [smem:$0x3FDB];
	s0 =	simm.s32 @p2 $0x1  }
0x17: {  	s4 =	simm.s32 $0x1BF5;
	[smem:$0x3FBB] =	sst s0  }
0x18: {  	s0 =	sld [smem:$0x3F9E];
	_ =	swait.ge [sflag:s4], $0x0  }
0x19: {  	s7 =	sld [smem:$0x3F9F]  }
0x1a: {  	s8 =	sadd.s32 $0xFFFFE003, lr  }
0x1b: {  	s9 =	sadd.s32 $0xFFFFFEF7, lr;
	s5 =	simm.s32 $0xFFFFFFFF;
	p2 =	slt.u32 s8, $0xFFFFF086  }
0x1c: {  	p1 =	slt.u32 s9, $0xF7A;
	s5 =	simm.s32 @!p2 $0x0  }
0x1d: {  	s5 =	simm.s32 @p1 $0x1;
	p0 =	seq.s32 s7, s2  }
0x1e: {  	s7 =	smul.u32 @!p0 $0xF7A, s2;
	p2 =	seq.s32 @!p0 s5, $0x0  }
0x1f: {  	s9 =	smul.u32 $0xF7A, s1;
	s8 =	simm.s32 @!p0 $0x1BF5;
	p2 =	por !p2, p0  }
0x20: {  	[sflag:s8] =	ssyncset.s32 @!p0 $0xFFFFF086;
	s6 =	sadd.s32 @!p0 s3, s7;
	s7 =	simm.s32 @!p0 $0x108  }
0x21: {  	s3 =	sadd.s32 s3, s9;
	s6 =	sadd.s32 @!p0 $0x88, s6;
	s7 =	simm.s32 @p2 $0x1082  }
0x22: {  	[simem:s7], [sflag:s8] =	dma.local @!p0 [hbm:s6], $0xF7A  }
0x23: {  	s9 =	sor.u32 $0xD0000000, s2;
	s6 =	simm.s32 $0x108;
	_ =	swait.ge @!p0 [sflag:s8], $0x0  }
0x24: {  	s3 =	sadd.s32 $0x88, s3;
	s6 =	simm.s32 @!p1 $0x1082;
	[sflag:s4] =	ssyncset.s32 $0xFFFFF086  }
0x25: {  	[simem:s6], [sflag:s4] =	dma.local [hbm:s3], $0xF7A  }
0x26: {  	[smem:$0x3F9F] =	sst s1;
	(tag) =	ssettag s2;
	_ =	strace s9  }
0x27: {  	s1 =	sld [smem:$0x3FAF]  }
0x28: {  	s2 =	sld [smem:$0x3FB0]  }
0x29: {  	s4 =	sld [smem:$0x3FB2]  }
0x2a: {  	p0 =	seq.s32 s5, $0x0;
	s5 =	sld [smem:$0x3FB3]  }
0x2b: {  	s6 =	sld [smem:$0x3FB4]  }
0x2c: {  	s7 =	sld [smem:$0x3FB5]  }
0x2d: {  	s3 =	simm.s32 $0x108;
	s8 =	sld [smem:$0x3FB6]  }
0x2e: {  	s3 =	simm.s32 @!p0 $0x1082;
	s9 =	sld [smem:$0x3FB7]  }
0x2f: {  	lr =	sadd.s32 s0, s3;
	s0 =	sld [smem:$0x3FAE]  }
0x30: {  	s3 =	sld [smem:$0x3FB1]  }
0x31: {  	[smem:$0x3FBA] =	sst s10  }
0x32: {  	s10 =	sld [smem:$0x3FB8];
	_ =	sdelay $0x3  }
0x33: {  	p0 =	seq.s32 s10, $0x1;
	s10 =	sld [smem:$0x3FBA];
	_ =	sdelay $0x3  }
0x34: {  	[smem:$0x3FBA] =	sst s10  }
0x35: {  	s10 =	sld [smem:$0x3FB9];
	_ =	sdelay $0x3  }
0x36: {  	p1 =	seq.s32 s10, $0x1;
	s10 =	sld [smem:$0x3FBA];
	_ =	sdelay $0x3  }
0x37: {  	[smem:$0x3FBA] =	sst s10  }
0x38: {  	s10 =	sld [smem:$0x3FBB]  }
0x39: {  	_ = 	snop;
	(pc) =	sbr.ind lr, $3  }
0x3a: {  	_ = 	snop  }
0x3b: {  	_ = 	snop  }
0x3c: {  	p2 =	seq.s32 s10, $0x1;
	s10 =	sld [smem:$0x3FBA]  }
0x3d: {  	_ =	shalt  }
0x3e: {  	_ =	shalt  }
0x3f: {  	_ =	shalt  }
0x40: {  	_ =	shalt  }
0x41: {  	_ =	shalt  }
0x42: {  	_ =	shalt  }
0x43: {  	_ =	shalt  }
0x44: {  	_ =	shalt  }
0x45: {  	_ =	shalt  }
0x46: {  	_ =	shalt  }
0x47: {  	_ =	shalt  }
0x48: {  	_ =	shalt  }
0x49: {  	_ =	shalt  }
0x4a: {  	_ =	shalt  }
0x4b: {  	_ =	shalt  }
0x4c: {  	_ =	shalt  }
0x4d: {  	_ =	shalt  }
0x4e: {  	_ =	shalt  }
0x4f: {  	_ =	shalt  }
0x50: {  	_ =	shalt  }
0x51: {  	_ =	shalt  }
0x52: {  	_ =	shalt  }
0x53: {  	_ =	shalt  }
0x54: {  	_ =	shalt  }
0x55: {  	_ =	shalt  }
0x56: {  	_ =	shalt  }
0x57: {  	_ =	shalt  }
0x58: {  	_ =	shalt  }
0x59: {  	_ =	shalt  }
0x5a: {  	_ =	shalt  }
0x5b: {  	_ =	shalt  }
0x5c: {  	_ =	shalt  }
0x5d: {  	_ =	shalt  }
0x5e: {  	_ =	shalt  }
0x5f: {  	_ =	shalt  }
0x60: {  	_ =	shalt  }
0x61: {  	_ =	shalt  }
0x62: {  	_ =	shalt  }
0x63: {  	_ =	shalt  }
0x64: {  	_ =	shalt  }
0x65: {  	_ =	shalt  }
0x66: {  	_ =	shalt  }
0x67: {  	_ =	shalt  }
0x68: {  	_ =	shalt  }
0x69: {  	_ =	shalt  }
0x6a: {  	_ =	shalt  }
0x6b: {  	_ =	shalt  }
0x6c: {  	_ =	shalt  }
0x6d: {  	_ =	shalt  }
0x6e: {  	_ =	shalt  }
0x6f: {  	_ =	shalt  }
0x70: {  	_ =	shalt  }
0x71: {  	_ =	shalt  }
0x72: {  	_ =	shalt  }
0x73: {  	_ =	shalt  }
0x74: {  	_ =	shalt  }
0x75: {  	_ =	shalt  }
0x76: {  	_ =	shalt  }
0x77: {  	_ =	shalt  }
0x78: {  	_ =	shalt  }
0x79: {  	_ =	shalt  }
0x7a: {  	_ =	shalt  }
0x7b: {  	_ =	shalt  }
0x7c: {  	_ =	shalt  }
0x7d: {  	_ =	shalt  }
0x7e: {  	_ =	shalt  }
0x7f: {  	_ =	shalt  }
0x80: {  	_ =	shalt  }
0x81: {  	_ =	shalt  }
0x82: {  	_ =	shalt  }
0x83: {  	_ =	shalt  }
0x84: {  	_ =	shalt  }
0x85: {  	_ =	shalt  }
0x86: {  	_ =	shalt  }
0x87: {  	_ =	shalt  }
.Lfunc_end0:
.L_simem_size_0:
called_computation_lowered:
.L_overlay_start_0:
0x88: {  	s2 =	sld [smem:$0x3FD9]  }
0x89: {  	s3 =	sld [smem:$0x3FFE];
	_ =	sdelay $0x1  }
0x8a: {  	s1 =	srdreg.scid  }
0x8b: {  	s0 =	sand.u32 $0x1, s1  }
0x8c: {  	s18 =	sshll.u32 s0, $0xA;
	s2 =	sadd.s32 s3, s2  }
0x8d: {  	s2 =	sadd.s32 s2, s18  }
0x8e: {  	[smem:$0x3FC6] =	sst s2  }
0x8f: {  	_ = 	snop  }
0x90: {  	s2 =	sld [smem:$0x3FC9]  }
0x91: {  	s19 =	sld [smem:$0x3FC8]  }
0x92: {  	s4 =	sld [smem:$0x3FD0];
	(tm) =	ssettm $0x1  }
0x93: {  	s5 =	sld [smem:$0x3FFB];
	_ =	sdelay $0x3  }
0x94: {  	_ =	strace s5  }
0x95: {  	s5 =	sld [smem:$0x3FFC];
	_ =	sdelay $0x3  }
0x96: {  	_ =	strace s5  }
0x97: {  	s5 =	sld [smem:$0x3FFD];
	_ =	sdelay $0x3  }
0x98: {  	_ =	strace s5  }
0x99: {  	_ =	strace $0x8FFFFFFF  }
0x9a: {  	s20 =	sld [smem:$0x3FDB];
	_ =	sdelay $0x1  }
0x9b: {  	s6 =	simm.s32 $_scs_section_size  }
0x9c: {  	s7 =	simm.s32 $_size__tile_overlayer_lowered;
	s8 =	simm.s32 $_tile_overlayer_lowered  }
0x9d: {  	s23 =	simm.s32 $0x1BFF;
	s22 =	sshll.u32 s8, $0x1;
	s5 =	sadd.s32 s6, s20  }
0x9e: {  	s9 =	simm.s32 $0x0;
	s21 =	sshll.u32 s7, $0x1;
	s7 =	sadd.s32 s22, s5  }
0x9f: {  	[timem:s9], [sflag:s23] =	dma.local [hbm:s7], s21  }
0xa0: {  	_ =	swait.ge [sflag:s23], s21  }
0xa1: {  	s6 =	ssub.s32 $0x0, s21;
	[sflag:s23] =	ssyncset.done $0x0  }
0xa2: {  	[sflag:s23] =	ssyncadd.s32 s6;
	_ =	sdelay $0x1  }
0xa3: {  	s24 =	simm.s32 $0x1B8B  }
0xa4: {  	_ =	swait.ge [sflag:s24], $0x1  }
0xa5: {  	[sflag:s24] =	ssyncset.done $0x0  }
0xa6: {  	s25 =	simm.s32 $0x1B8E;
	[sflag:s24] =	ssyncadd.s32 $0xFFFFFFFF  }
0xa7: {  	s26 =	simm.s32 $execute0_lowered;
	[smem:$0x3FD2] =	sst s25  }
0xa8: {  	s6 =	sshll.u32 s26, $0x1;
	_ =	strace $0x80000046;
	[dreg:$0x1] =	wrdreg $0xFFFFFFFF  }
0xa9: {  	s28 =	simm.s32 $_size_execute0_lowered;
	s5 =	sadd.s32 s5, s6;
	[dreg:$0x0] =	wrdreg $0x0  }
0xaa: {  	s6 =	sshll.u32 s28, $0x1;
	[dreg:$0x2] =	wrdreg s5  }
0xab: {  	[dreg:$0x3] =	wrdreg s6  }
0xac: {  	[dreg:$0x4] =	wrdreg $0xC0  }
0xad: {  	_ =	task [dreg:s9], $0x5FFFF  }
0xae: {  	[dreg:$0x1] =	wrdreg $0xFFFFFFFF  }
0xaf: {  	[dreg:$0x0] =	wrdreg $0x60  }
0xb0: {  	[dreg:$0x2] =	wrdreg s2  }
0xb1: {  	[dreg:$0x3] =	wrdreg s19  }
0xb2: {  	[dreg:$0x4] =	wrdreg s4  }
0xb3: {  	[dreg:$0x5] =	wrdreg $0x9  }
0xb4: {  	_ =	task.clear_ibuf [dreg:s9], $0x6FFFF;
	_ =	strace $0x90000046  }
0xb5: {  	s29 =	simm.s32 $0x9;
	_ =	strace $0x80000051  }
0xb6: {  	_ =	swait.ge [sflag:s29], $0x1  }
0xb7: {  	[sflag:s29] =	ssyncadd.s32 $0xFFFFFFFF  }
0xb8: {  	_ =	strace $0x90000051  }
0xb9: {  	_ =	sfence  }
0xba: {  	s30 =	sld [smem:$0x0];
	_ =	sdelay $0x2  }
0xbb: {  	s31 =	sshll.u32 s1, $0xD;
	s1 =	sshrl.u32 s1, $0x2  }
0xbc: {  	s3 =	sand.u32 $0x4000, s31;
	s1 =	sadd.s32 s1, s30  }
0xbd: {  	s0 =	sor.u32 s3, s0;
	s1 =	sshll.u32 s1, $0x11  }
0xbe: {  	s0 =	sor.u32 s1, s0  }
0xbf: {  	s0 =	sadd.s32 $0x8F2B, s0  }
0xc0: {  	[sflag:s0] =	ssyncadd.remote.s32 $0x1  }
0xc1: {  	_ =	sfence.sel $0xFFFF  }
0xc2: {  	[dreg:$0x0] =	wrdreg $0xFFFFFFFF;
	(pc) =	sbr.abs _section_cstart, $3  }
0xc3: {  	[dreg:$0x1] =	wrdreg $0xFFFFFFFF  }
0xc4: {  	_ =	task.clear_ibuf [dreg:s9], $0x2FFFF;
	_ =	strace $0x9FFFFFFF  }
0xc5: {  	(tm) =	ssettm $0x7FFFFFFF  }
tec
execute0_lowered:
.L_overlay_start_1:
0x0: {  	(tag) =	ssettag $0x1  }
0x1: {  	s1 =	rddreg [dreg:$0x0]  }
0x2: {  	s2 =	rddreg [dreg:$0x1]  }
0x3: {  	s3 =	rddreg [dreg:$0x2]  }
0x4: {  	s4 =	simm.s32 $0x0;
	s0 =	srdreg.scid;
	s5 =	stileid.u32  }
0x5: {  	s10 =	simm.s32 $0x8000;
	s11 =	simm.s32 $0x6;
	s12 =	simm.s32 $0x0  }
0x6: {  	[smem:$0x7FF] =	sst s4;
	s0 =	sand.u32 $0x1, s0;
	s31 =	sshll.u32 s5, $0x11  }
0x7: {  	_ =	strace $0x80000047;
	s6 =	ssub.s32 $0x2, s0;
	s0 =	sshll.u32 s0, $0x4  }
0x8: {  	s8 =	sand.u32 $0xE0000, s31;
	s7 =	sshrl.u32 s6, $0x1;
	s0 =	sor.u32 s5, s0  }
0x9: {  	s9 =	ssub.s32 s6, s7;
	s6 =	sshll.u32 s0, $0x6;
	s0 =	sshll.u32 s0, $0x11  }
0xa: {  	s8 =	sadd.s32 s2, s8;
	s7 =	sadd.s32 s1, s0;
	s9 =	smax.u32 s9, $0x1  }
.LBB2_1:
0xb: {  	_ =	strace $0x80000048  }
0xc: {  	s13 =	simm.s32 $0x0;
	s14 =	simm.s32 $0x0;
	s15 =	simm.s32 $0x0  }
0xd: {  	[tilespmem:s4], [sflag:$0x1] =	stream.linear.gather [hbm4b:s7+s4], $0x4000, $0x200038;
	[tilespmem:$0x18000] =	vst v63  }
0xe: {  	s16 =	simm.s32 $0x0;
	s17 =	simm.s32 $0x1;
	s18 =	simm.s32 $0x0  }
0xf: {  	[tilespmem:s10], [sflag:$0x3] =	stream.linear.gather [hbm4b:s8+s4], $0x4000, $0x200038;
	[tilespmem:$0x18000] =	vst v63  }
0x10: {  	s19 =	simm.s32 $0x1;
	s20 =	simm.s32 $0x0;
	_ =	strace $0x90000048  }
.LBB2_2:
0x11: {  	s0 =	smov.u32 s13;
	s13 =	sadd.s32 $0x1, s13  }
0x12: {  	p0 =	seq.s32 s13, $0x40  }
0x13: {  	s13 =	simm.s32 @p0 $0x0  }
0x14: {  	p2 =	sne.s32 s20, $0x3F;
	p0 =	sne.s32 s0, s13  }
0x15: {  	s21 =	sadd.s32 s6, s0;
	p1 =	por !p2, !p0  }
0x16: {  	s30 =	sshra.s32 s21, $0x1F;
	s22 =	sadd.s32 s6, s13;
	p3 =	por !p1, !p1  }
0x17: {  	s31 =	sshra.s32 s22, $0x1F;
	_ =	strace @p3 $0x80000049;
	s24 =	sshll.u32 @p3 s22, $0xB  }
0x18: {  	s23 =	sand.u32 @p3 $0x1, s19;
	s26 =	simm.s32 @p3 $0x0;
	s24 =	sand.u32 @p3 $0x1FFFF800, s24  }
0x19: {  	s25 =	sshll.u32 @p3 s23, $0xE;
	s23 =	sadd.s32 @p3 $0x1, s23;
	s24 =	sadd.s32 @p3 s1, s24  }
0x1a: {  	[tilespmem:s25], [sflag:s23] =	stream.linear.gather @p3 [hbm4b:s24+s26], $0x4000, $0x200038;
	[tilespmem:$0x18000] =	vst v63  }
0x1b: {  	s23 =	sshrl.u32 s30, $0x17;
	s24 =	sshrl.u32 s31, $0x17  }
0x1c: {  	s23 =	sadd.s32 s23, s21;
	s24 =	sadd.s32 s24, s22  }
0x1d: {  	s23 =	sand.u32 $0xFFFFFE00, s23;
	s24 =	sand.u32 $0xFFFFFE00, s24  }
0x1e: {  	s23 =	ssub.s32 s21, s23;
	s22 =	ssub.s32 s22, s24  }
0x1f: {  	p5 =	seq.s32 s0, $0x0;
	s24 =	sadd.s32 $0xFFFFFFFF, s0;
	p1 =	sne.s32 s23, s22  }
0x20: {  	s24 =	simm.s32 @p5 $0x3F;
	p2 =	por !p2, !p1  }
0x21: {  	_ =	strace @p3 $0x90000049;
	s24 =	sadd.s32 s6, s24;
	p4 =	por !p2, !p2  }
0x22: {  	s0 =	sand.u32 @p4 $0x1, s17;
	_ =	strace @p4 $0x8000004A;
	s22 =	sshll.u32 @p4 s22, $0xB  }
0x23: {  	s26 =	simm.s32 @p4 $0x0;
	s25 =	sshll.u32 @p4 s0, $0xE;
	s22 =	sand.u32 @p4 $0x1FFFF800, s22  }
0x24: {  	s0 =	sadd.s32 @p4 $0x3, s0;
	s25 =	sor.u32 @p4 $0x8000, s25;
	s22 =	sadd.s32 @p4 s2, s22  }
0x25: {  	[tilespmem:s25], [sflag:s0] =	stream.linear.gather @p4 [hbm4b:s22+s26], $0x4000, $0x200038;
	[tilespmem:$0x18000] =	vst v63  }
0x26: {  	s25 =	sshra.s32 s24, $0x1F  }
0x27: {  	s0 =	sshrl.u32 s25, $0x17  }
0x28: {  	s26 =	sand.u32 $0x1, s18;
	_ =	strace @p4 $0x9000004A;
	s0 =	sadd.s32 s0, s24  }
0x29: {  	s22 =	sadd.s32 $0x1, s26;
	_ =	strace $0x8000004B;
	s0 =	sand.u32 $0xFFFFFE00, s0  }
0x2a: {  	p2 =	seq.s32 s20, $0x0;
	_ =	swait.ge [sflag:s22], $0x4000;
	s0 =	ssub.s32 s24, s0  }
0x2b: {  	[sflag:s22] =	ssyncset.done $0x0;
	p5 =	seq.s32 @!p2 s23, s0  }
0x2c: {  	[sflag:s22] =	ssyncadd.s32 $0xFFFFC000;
	p5 =	por p2, !p5  }
0x2d: {  	_ =	strace $0x9000004B;
	s0 =	sand.u32 @p5 $0x1, s16  }
0x2e: {  	s22 =	simm.s32 $0x1;
	_ =	strace @p5 $0x8000004C;
	s0 =	sadd.s32 @p5 $0x3, s0  }
0x2f: {  	s22 =	simm.s32 @!p4 $0x0;
	_ =	swait.ge @p5 [sflag:s0], $0x4000  }
0x30: {  	s17 =	sadd.s32 s22, s17;
	[sflag:s0] =	ssyncset.done @p5 $0x0  }
0x31: {  	s22 =	sand.u32 $0x1, s15;
	[sflag:s0] =	ssyncadd.s32 @p5 $0xFFFFC000;
	s0 =	simm.s32 $0x1  }
0x32: {  	s28 =	sshll.u32 s16, $0xE;
	s30 =	sshll.u32 s22, $0xE;
	s0 =	simm.s32 @!p3 $0x0  }
0x33: {  	s23 =	sor.u32 $0x10000, s30;
	s19 =	sadd.s32 s0, s19;
	s0 =	sand.u32 $0x4000, s28  }
0x34: {  	s29 =	sshll.u32 s18, $0xE;
	v2 =	vmov s23;
	s0 =	sor.u32 $0x8000, s0  }
0x35: {  	s31 =	sand.u32 $0x4000, s29;
	v1 =	vmov s0  }
0x36: {  	v0 =	vmov s31  }
0x37: {  	_ =	strace @p5 $0x9000004C  }
0x38: {  	s25 =	simm.s32 $0x0;
	s24 =	simm.s32 $0x0;
	_ =	strace $0x8000004D  }
.LBB2_3:
0x39: {  	s0 =	sshll.u32 s25, $0xA;
	s26 =	sshll.u32 s25, $0x7  }
0x3a: {  	s0 =	sand.u32 $0x2000, s0;
	s26 =	sand.u32 $0x380, s26  }
0x3b: {  	s26 =	sor.u32 s0, s26;
	s0 =	sand.u32 $0x1C00, s24  }
0x3c: {  	s28 =	sand.u32 $0x70, s24;
	s0 =	sor.u32 s0, s26  }
0x3d: {  	s28 =	sor.u32 s28, s0  }
0x3e: {  	v3 =	vld.idx.msk [tilespmem:v1+s28+$0x0 ss:$0x1], $0xffff  }
0x3f: {  	v4 =	vld.idx.msk [tilespmem:v0+s28+$0x0 ss:$0x1], $0xffff;
	_ =	sdelay $0x3  }
0x40: {  	s29 =	simm.s32 $0x80  }
0x41: {  	s30 =	sand.u32 $0x1C00, s29;
	s0 =	simm.s32 $0x10;
	v3 =	vadd.f32 v3, v4  }
0x42: {  	s31 =	sand.u32 $0x70, s0;
	s0 =	sor.u32 s30, s26;
	s30 =	simm.s32 $0x20  }
.LBB2_4:
0x43: {  	p3 =	sne.s32 s30, $0x3F0;
	[tilespmem:v2+s28+$0x0 ss:$0x1] =	vst.idx.msk $0xffff, v3;
	s28 =	sor.u32 s31, s0  }
0x44: {  	v3 =	vld.idx.msk [tilespmem:v1+s28+$0x0 ss:$0x1], $0xffff  }
0x45: {  	v4 =	vld.idx.msk [tilespmem:v0+s28+$0x0 ss:$0x1], $0xffff;
	_ =	sdelay $0x2  }
.Ltmp0:
0x46: {  	(pc) =	sbr.rel @p3 .LBB2_4-.Ltmp0, $4  }
0x47: {  	_ = 	snop  }
0x48: {  	s29 =	sadd.s32 $0x80, s29  }
0x49: {  	s0 =	sand.u32 $0x1C00, s29;
	v3 =	vadd.f32 v3, v4  }
0x4a: {  	s31 =	sand.u32 $0x70, s30;
	s30 =	sadd.s32 $0x10, s30;
	s0 =	sor.u32 s0, s26  }
0x4b: {  	_ =	sdelay $0x3  }
0x4c: {  	s0 =	sor.u32 s31, s0;
	[tilespmem:v2+s28+$0x0 ss:$0x1] =	vst.idx.msk $0xffff, v3  }
0x4d: {  	v3 =	vld.idx.msk [tilespmem:v1+s0+$0x0 ss:$0x1], $0xffff  }
0x4e: {  	v4 =	vld.idx.msk [tilespmem:v0+s0+$0x0 ss:$0x1], $0xffff  }
0x4f: {  	s25 =	sadd.s32 $0x1, s25  }
0x50: {  	p3 =	sne.s32 s25, $0x10  }
.Ltmp1:
0x51: {  	_ = 	snop;
	(pc) =	sbr.rel @p3 .LBB2_3-.Ltmp1, $3  }
0x52: {  	_ = 	snop  }
0x53: {  	v3 =	vadd.f32 v3, v4;
	_ =	sdelay $0x1  }
0x54: {  	[tilespmem:v2+s0+$0x0 ss:$0x1] =	vst.idx.msk $0xffff, v3  }
0x55: {  	p3 =	seq.s32 s20, $0x3F  }
0x56: {  	p0 =	por p3, p0  }
0x57: {  	_ =	strace $0x9000004D;
	s0 =	sshll.u32 @p0 s21, $0xB  }
0x58: {  	_ =	strace @p0 $0x8000004E;
	s0 =	sand.u32 @p0 $0x1FFFF800, s0  }
0x59: {  	s21 =	sadd.s32 @p0 $0x5, s22;
	s22 =	simm.s32 @p0 $0x0;
	s0 =	sadd.s32 @p0 s3, s0  }
0x5a: {  	[hbm4b:s0+s22] =	stream.linear.scatter @p0 [tilespmem:s23], [sflag:s21], $0x4000, $0x200038;
	[tilespmem:$0x18000] =	vst v63  }
0x5b: {  	s0 =	sand.u32 @!p2 $0x1, s14;
	_ =	strace @p0 $0x9000004E  }
0x5c: {  	s0 =	sadd.s32 @!p2 $0x5, s0;
	_ =	strace @!p2 $0x8000004F  }
0x5d: {  	s21 =	simm.s32 $0x1;
	_ =	swait.ge @!p2 [sflag:s0], $0x4000  }
0x5e: {  	s21 =	simm.s32 @!p0 $0x0;
	p0 =	sne.s32 s20, $0x0;
	[sflag:s0] =	ssyncset.done @!p2 $0x0  }
0x5f: {  	s20 =	sadd.s32 $0x1, s20;
	[sflag:s0] =	ssyncadd.s32 @!p2 $0xFFFFC000;
	s0 =	simm.s32 $0x1  }
0x60: {  	s0 =	simm.s32 @!p0 $0x0;
	p0 =	sne.s32 s20, $0x40  }
.Ltmp2:
0x61: {  	_ = 	snop;
	(pc) =	sbr.rel @p0 .LBB2_2-.Ltmp2, $4  }
0x62: {  	_ = 	snop  }
0x63: {  	p1 =	por p3, p1;
	s22 =	simm.s32 $0x1  }
0x64: {  	s22 =	simm.s32 @!p1 $0x0;
	s15 =	sadd.s32 s21, s15;
	s18 =	sadd.s32 s21, s18  }
0x65: {  	s16 =	sadd.s32 s22, s16;
	_ =	strace @!p2 $0x9000004F;
	s14 =	sadd.s32 s0, s14  }
0x66: {  	s12 =	sadd.s32 $0x1, s12  }
0x67: {  	p0 =	sne.s32 s12, s9  }
.Ltmp3:
0x68: {  	_ =	strace $0x80000050;
	(pc) =	sbr.rel @p0 .LBB2_1-.Ltmp3, $4  }
0x69: {  	_ =	swait.ge [sflag:s11], $0x4000  }
0x6a: {  	[sflag:s11] =	ssyncset.done $0x0  }
0x6b: {  	[sflag:s11] =	ssyncadd.s32 $0xFFFFC000  }
0x6c: {  	_ =	strace $0x90000050  }
0x6d: {  	_ =	sfence.sel $0x180000  }
0x6e: {  	[bflag:$0x0] =	sbarrier.arrive $0xFFFF  }
0x6f: {  	_ =	strace $0x90000047  }
0x70: {  	[bflag:$0x2] =	sbarrier.arrive $0xFFFF  }
0x71: {  	p0 =	sne.s32 s5, $0x0;
	s0 =	rddreg [dreg:$0x3]  }
0x72: {  	s0 =	sadd.s32 @!p0 $0x100000, s0  }
0x73: {  	[sflag:s0] =	ssyncadd.tile.s32 @!p0 $0x1;
	_ =	shalt  }
.Lfunc_end2:
_tile_overlayer_lowered:
.L_overlay_start_2:
0x74: {  	(tag) =	ssettag $0x2  }
0x75: {  	s0 =	rddreg [dreg:$0x0];
	s2 =	stileid.u32  }
0x76: {  	s1 =	rddreg [dreg:$0x1];
	p0 =	sne.s32 s2, $0x0  }
0x77: {  	s3 =	rddreg [dreg:$0x2];
	[bflag:$0x3] =	sbarrier.arrive $0xFFFF;
	s2 =	simm.s32 @!p0 $0x1C01  }
0x78: {  	[timem:s3], [sflag:s2] =	dma.local @!p0 [hbm:s0], s1  }
0x79: {  	s0 =	simm.s32 @!p0 $0x1  }
0x7a: {  	_ =	swait.ge @!p0 [sflag:s0], s1  }
0x7b: {  	s1 =	ssub.s32 @!p0 $0x0, s1;
	[sflag:s0] =	ssyncset.done @!p0 $0x0  }
0x7c: {  	[sflag:s0] =	ssyncadd.s32 @!p0 s1  }
0x7d: {  	[bflag:$0x3] =	sbarrier.arrive $0xFFFF  }
0x7e: {  	_ =	shalt  }

</sc_bundles>
